<compile_context>
chip_gen: v7x
topology: tpu7x:2x2x1
jax: 0.10.2.dev20260603
libtpu: 0.0.44.dev20260713+nightly
codegen_flags: <defaults>
</compile_context>

<pallas_src>
import functools

import jax
import jax.numpy as jnp
from jax import lax
from jax.experimental import pallas as pl
from jax.experimental.pallas import tpu as pltpu
from jax.experimental.pallas import tpu_sc as plsc

N = 10000
D = 128
E = 320000

NC = 2
NS = 16
NW = NC * NS

C = 128
K = 80
KS = K // 2
NBUF = 2
SPS = KS // NBUF
EPAD = NW * K * C - E
ZR = 10112
RS = ZR // NS
DEGW = 128

_MESH = plsc.VectorSubcoreMesh(
    core_axis_name="c", subcore_axis_name="s", num_cores=NC, num_subcores=NS
)


def _worker_id():
    return lax.axis_index("c") * NS + lax.axis_index("s")



def _sc_deg_body(dst_hbm, ones_hbm, zeros_hbm, deg_out, dst_v, ones_v, shared_deg,
                 *sems):
    c = lax.axis_index("c")
    s = lax.axis_index("s")
    wid = _worker_id()
    pltpu.sync_copy(zeros_hbm.at[pl.ds(s * RS, RS)], shared_deg.at[pl.ds(s * RS, RS)])
    pltpu.sync_copy(dst_hbm.at[wid], dst_v)
    pltpu.sync_copy(ones_hbm, ones_v)
    plsc.subcore_barrier()

    def step(g, carry):
        cps = [
            pltpu.async_copy(ones_v, shared_deg.at[dst_v.at[g * NBUF + b]],
                             sems[b], add=True)
            for b in range(NBUF)
        ]
        for cp in cps:
            cp.wait()
        return carry

    lax.fori_loop(0, K // NBUF, step, 0)
    plsc.subcore_barrier()
    pltpu.sync_copy(shared_deg.at[pl.ds(s * RS, RS)], deg_out.at[c, pl.ds(s * RS, RS)])


@jax.jit
def _sc_deg(dst3, ones16, zeros16):
    return pl.kernel(
        _sc_deg_body,
        out_type=jax.ShapeDtypeStruct((NC, ZR, DEGW), jnp.float32),
        mesh=_MESH,
        scratch_types=[
            pltpu.VMEM((K, C), jnp.int32),
            pltpu.VMEM((C, DEGW), jnp.float32),
            pltpu.VMEM_SHARED((ZR, DEGW), jnp.float32),
        ] + [pltpu.SemaphoreType.DMA] * NBUF,
    )(dst3, ones16, zeros16)


def _sc_edge_body(y_hbm, src_hbm, dst_hbm, zeros_hbm, z_out,
                  src_v, dst_v, *bufs_and_sems):
    rows = bufs_and_sems[:NBUF]
    shared_z = bufs_and_sems[NBUF]
    gsem = bufs_and_sems[NBUF + 1:2 * NBUF + 1]
    ssem = bufs_and_sems[2 * NBUF + 1:]
    c = lax.axis_index("c")
    s = lax.axis_index("s")
    wid = _worker_id()
    pltpu.sync_copy(zeros_hbm.at[pl.ds(s * RS, RS)], shared_z.at[pl.ds(s * RS, RS)])
    pltpu.sync_copy(src_hbm.at[wid, pl.ds(0, KS)], src_v)
    pltpu.sync_copy(dst_hbm.at[wid, pl.ds(0, KS)], dst_v)
    plsc.subcore_barrier()

    def step(g, carry):
        @pl.when(g == SPS)
        def _():
            pltpu.sync_copy(src_hbm.at[wid, pl.ds(KS, KS)], src_v)
            pltpu.sync_copy(dst_hbm.at[wid, pl.ds(KS, KS)], dst_v)

        gl = g - jnp.where(g >= SPS, SPS, 0)
        gcp = [
            pltpu.async_copy(y_hbm.at[src_v.at[gl * NBUF + b]], rows[b], gsem[b])
            for b in range(NBUF)
        ]
        scp = []
        for b in range(NBUF):
            gcp[b].wait()
            scp.append(
                pltpu.async_copy(rows[b], shared_z.at[dst_v.at[gl * NBUF + b]],
                                 ssem[b], add=True)
            )
        for cp in scp:
            cp.wait()
        return carry

    lax.fori_loop(0, K // NBUF, step, 0)
    plsc.subcore_barrier()
    pltpu.sync_copy(shared_z.at[pl.ds(s * RS, RS)], z_out.at[c, pl.ds(s * RS, RS)])


@jax.jit
def _sc_edge(y, src3, dst3, zerosD):
    return pl.kernel(
        _sc_edge_body,
        out_type=jax.ShapeDtypeStruct((NC, ZR, D), jnp.float32),
        mesh=_MESH,
        scratch_types=[
            pltpu.VMEM((KS, C), jnp.int32),
            pltpu.VMEM((KS, C), jnp.int32),
        ] + [pltpu.VMEM((C, D), jnp.float32)] * NBUF + [
            pltpu.VMEM_SHARED((ZR, D), jnp.float32),
        ] + [pltpu.SemaphoreType.DMA] * (2 * NBUF),
    )(y, src3, dst3, zerosD)



def _tc_mm_body(x_ref, w_ref, o_ref):
    o_ref[...] = jnp.dot(x_ref[...], w_ref[...], preferred_element_type=jnp.float32)


@jax.jit
def _tc_mm(x, w):
    return pl.pallas_call(
        _tc_mm_body,
        out_shape=jax.ShapeDtypeStruct((N, D), jnp.float32),
    )(x, w)


def _tc_scale_body(degp_ref, xw_ref, y_ref, dinv_ref):
    deg = degp_ref[0, :, 0:1] + degp_ref[1, :, 0:1]
    dinv = lax.rsqrt(deg + 1.0)
    dv = dinv[:N, :]
    y_ref[...] = xw_ref[...] * dv
    dinv_ref[...] = dv


@jax.jit
def _tc_scale(deg_parts, xw):
    return pl.pallas_call(
        _tc_scale_body,
        out_shape=(
            jax.ShapeDtypeStruct((N, D), jnp.float32),
            jax.ShapeDtypeStruct((N, 1), jnp.float32),
        ),
    )(deg_parts, xw)


def _tc_comb_mm_body(z_ref, y_ref, dinv_ref, b_ref, w_ref, o_ref):
    z = z_ref[0, :N, :] + z_ref[1, :N, :]
    h = (z + y_ref[...]) * dinv_ref[...] + b_ref[...]
    h = jnp.maximum(h, 0.0)
    o_ref[...] = (
        jnp.dot(h, w_ref[...], preferred_element_type=jnp.float32) * dinv_ref[...]
    )


@jax.jit
def _tc_comb_mm(z, y, dinv, b, w):
    return pl.pallas_call(
        _tc_comb_mm_body,
        out_shape=jax.ShapeDtypeStruct((N, D), jnp.float32),
    )(z, y, dinv, b, w)


def _tc_comb_body(z_ref, y_ref, dinv_ref, b_ref, o_ref):
    z = z_ref[0, :N, :] + z_ref[1, :N, :]
    o_ref[...] = (z + y_ref[...]) * dinv_ref[...] + b_ref[...]


@jax.jit
def _tc_comb(z, y, dinv, b):
    return pl.pallas_call(
        _tc_comb_body,
        out_shape=jax.ShapeDtypeStruct((N, D), jnp.float32),
    )(z, y, dinv, b)



def kernel(x, edge_index, W1, b1, W2, b2):
    src = edge_index[0].astype(jnp.int32)
    dst = edge_index[1].astype(jnp.int32)
    src3 = jnp.concatenate([src, jnp.zeros((EPAD,), jnp.int32)]).reshape(NW, K, C)
    dst3 = jnp.concatenate([dst, jnp.full((EPAD,), N, jnp.int32)]).reshape(NW, K, C)
    onesD = jnp.ones((C, DEGW), jnp.float32)
    zerosD = jnp.zeros((ZR, D), jnp.float32)

    deg_parts = _sc_deg(dst3, onesD, zerosD)
    xw1 = _tc_mm(x, W1)
    y1, dinv = _tc_scale(deg_parts, xw1)
    z1 = _sc_edge(y1, src3, dst3, zerosD)
    y2 = _tc_comb_mm(z1, y1, dinv, b1.reshape(1, D), W2)
    z2 = _sc_edge(y2, src3, dst3, zerosD)
    return _tc_comb(z2, y2, dinv, b2.reshape(1, D))

# --- scband reference (transcript-rebuilt; emitter-appended) ---
"""Pipeline reference for scband-baseline-gnn-79714593014141 (READ-ONLY COPY).

The authoritative reference and input builder live on the scoring server;
editing this copy changes nothing except your own understanding.
"""

import jax, jax.numpy as jnp
import numpy as np

N_NODES = 10000
D_FEAT = 128
N_EDGES = 320000


def _gcn_layer(x, src, dst, W, b, num_nodes):
    # PyG GCNConv: add self-loops, symmetric normalization, x @ W, scatter-add, + bias
    loop = jnp.arange(num_nodes, dtype=src.dtype)
    src_sl = jnp.concatenate([src, loop])
    dst_sl = jnp.concatenate([dst, loop])
    deg = jnp.zeros((num_nodes,), dtype=x.dtype).at[dst_sl].add(1.0)
    dinv = jnp.where(deg > 0, deg ** -0.5, 0.0)
    norm = dinv[src_sl] * dinv[dst_sl]
    xw = x @ W
    msg = xw[src_sl] * norm[:, None]
    out = jnp.zeros((num_nodes, W.shape[1]), dtype=x.dtype).at[dst_sl].add(msg)
    return out + b


def setup_inputs(seed: int = 0) -> dict:
    key = jax.random.key(seed)
    k_x, k_e, k_w1, k_w2 = jax.random.split(key, 4)
    x = jax.random.normal(k_x, (N_NODES, D_FEAT), dtype=jnp.float32)
    edge_index = jax.random.randint(k_e, (2, N_EDGES), 0, N_NODES, dtype=jnp.int64)
    s1 = 1.0 / np.sqrt(D_FEAT)
    W1 = jax.random.uniform(k_w1, (D_FEAT, D_FEAT), minval=-s1, maxval=s1, dtype=jnp.float32)
    b1 = jnp.zeros((D_FEAT,), dtype=jnp.float32)
    W2 = jax.random.uniform(k_w2, (D_FEAT, D_FEAT), minval=-s1, maxval=s1, dtype=jnp.float32)
    b2 = jnp.zeros((D_FEAT,), dtype=jnp.float32)
    return {"x": x, "edge_index": edge_index, "W1": W1, "b1": b1, "W2": W2, "b2": b2}


def reference(x, edge_index, W1, b1, W2, b2):
    num_nodes = x.shape[0]
    src, dst = edge_index[0], edge_index[1]
    # layer 1 (GCNConv) -> relu -> dropout(eval: identity)
    h = _gcn_layer(x, src, dst, W1, b1, num_nodes)
    h = jax.nn.relu(h)
    # layer 2 (GCNConv), no activation on last layer
    out = _gcn_layer(h, src, dst, W2, b2, num_nodes)
    return out

if __name__ == "__main__":
    import jax
    _d = setup_inputs()
    print(jax.jit(kernel)(*tuple(_d.values())))

</pallas_src>

<mosaic_0001>
#map = affine_map<(d0, d1) -> (0, 0, 0)>
#map1 = affine_map<(d0, d1) -> (0, 0)>
module attributes {stable_mosaic.version = 14 : i64} {
  func.func @_sc_deg_body(%arg0: i32, %arg1: i32, %arg2: memref<32x80x128xi32, #tpu.memory_space<hbm>>, %arg3: memref<128x128xf32, #tpu.memory_space<hbm>>, %arg4: memref<10112x128xf32, #tpu.memory_space<hbm>>, %arg5: memref<2x10112x128xf32, #tpu.memory_space<hbm>>, %arg6: memref<80x128xi32, #tpu.memory_space<vmem>>, %arg7: memref<128x128xf32, #tpu.memory_space<vmem>>, %arg8: memref<10112x128xf32, #tpu.memory_space<vmem_shared>>, %arg9: memref<!tpu.dma_semaphore, #tpu.memory_space<semaphore_mem>>, %arg10: memref<!tpu.dma_semaphore, #tpu.memory_space<semaphore_mem>>) attributes {dimension_semantics = [#tpu.dimension_semantics<core_parallel>, #tpu.dimension_semantics<subcore_parallel>], iteration_bounds = array<i64: 2, 16>, scalar_prefetch = 0 : i64, scratch_operands = 5 : i64, tpu.core_type = #tpu.core_type<sc_vector_subcore>, window_params = [{transform_indices = #map}, {transform_indices = #map1}, {transform_indices = #map1}, {transform_indices = #map}]} {
    %mul3A = arith.constant 16 : i32
    %mul3A_0 = arith.muli %arg0, %mul3A : i32
    %add3A = arith.addi %mul3A_0, %arg1 : i32
    %mul3A_1 = arith.constant 632 : i32
    %mul3A_2 = arith.muli %arg1, %mul3A_1 : i32
    %mul3A_3 = arith.constant 632 : i32
    %mul3A_4 = arith.muli %arg1, %mul3A_3 : i32
    "tpu.region"() ({
      %run_scoped3A = tpu.sem_alloc : memref<!tpu.dma_semaphore, #tpu.memory_space<semaphore_mem>>
      %dma_start3A = arith.constant 0 : i32
      %dma_start3A_15 = tpu.memref_slice %arg8[%mul3A_4, %dma_start3A] : memref<10112x128xf32, #tpu.memory_space<vmem_shared>> -> memref<632x128xf32, #tpu.memory_space<vmem_shared>>
      %dma_start3A_16 = arith.constant 0 : i32
      %dma_start3A_17 = tpu.memref_slice %arg4[%mul3A_2, %dma_start3A_16] : memref<10112x128xf32, #tpu.memory_space<hbm>> -> memref<632x128xf32, #tpu.memory_space<hbm>>
      tpu.enqueue_dma source(%dma_start3A_17 : memref<632x128xf32, #tpu.memory_space<hbm>>) target(%dma_start3A_15 : memref<632x128xf32, #tpu.memory_space<vmem_shared>>) target_semaphore(%run_scoped3A : memref<!tpu.dma_semaphore, #tpu.memory_space<semaphore_mem>>)
      %dma_wait3A = arith.constant 0 : i32
      %dma_wait3A_18 = tpu.memref_slice %arg8[%mul3A_4, %dma_wait3A] : memref<10112x128xf32, #tpu.memory_space<vmem_shared>> -> memref<632x128xf32, #tpu.memory_space<vmem_shared>>
      %dma_wait3A_19 = arith.constant 0 : i32
      %dma_wait3A_20 = tpu.memref_slice %arg4[%mul3A_2, %dma_wait3A_19] : memref<10112x128xf32, #tpu.memory_space<hbm>> -> memref<632x128xf32, #tpu.memory_space<hbm>>
      tpu.wait_dma2 semaphore(%run_scoped3A : memref<!tpu.dma_semaphore, #tpu.memory_space<semaphore_mem>>) src(%dma_wait3A_20 : memref<632x128xf32, #tpu.memory_space<hbm>>) dst(%dma_wait3A_18 : memref<632x128xf32, #tpu.memory_space<vmem_shared>>)
      tpu.yield
    }) : () -> ()
    "tpu.region"() ({
      %run_scoped3A = tpu.sem_alloc : memref<!tpu.dma_semaphore, #tpu.memory_space<semaphore_mem>>
      %dma_start3A = arith.constant 0 : i32
      %dma_start3A_15 = arith.constant 0 : i32
      %dma_start3A_16 = tpu.memref_slice %arg2[%add3A, %dma_start3A, %dma_start3A_15] : memref<32x80x128xi32, #tpu.memory_space<hbm>> -> memref<1x80x128xi32, #tpu.memory_space<hbm>>
      %dma_start3A_17 = tpu.memref_squeeze %dma_start3A_16 : memref<1x80x128xi32, #tpu.memory_space<hbm>> -> memref<80x128xi32, #tpu.memory_space<hbm>>
      %dma_start3A_18 = arith.constant 0 : i32
      %dma_start3A_19 = arith.constant 0 : i32
      %dma_start3A_20 = tpu.memref_slice %arg2[%add3A, %dma_start3A_18, %dma_start3A_19] : memref<32x80x128xi32, #tpu.memory_space<hbm>> -> memref<1x80x128xi32, #tpu.memory_space<hbm>>
      %dma_start3A_21 = tpu.memref_squeeze %dma_start3A_20 : memref<1x80x128xi32, #tpu.memory_space<hbm>> -> memref<80x128xi32, #tpu.memory_space<hbm>>
      tpu.enqueue_dma source(%dma_start3A_21 : memref<80x128xi32, #tpu.memory_space<hbm>>) target(%arg6 : memref<80x128xi32, #tpu.memory_space<vmem>>) target_semaphore(%run_scoped3A : memref<!tpu.dma_semaphore, #tpu.memory_space<semaphore_mem>>)
      %dma_wait3A = arith.constant 0 : i32
      %dma_wait3A_22 = arith.constant 0 : i32
      %dma_wait3A_23 = tpu.memref_slice %arg2[%add3A, %dma_wait3A, %dma_wait3A_22] : memref<32x80x128xi32, #tpu.memory_space<hbm>> -> memref<1x80x128xi32, #tpu.memory_space<hbm>>
      %dma_wait3A_24 = tpu.memref_squeeze %dma_wait3A_23 : memref<1x80x128xi32, #tpu.memory_space<hbm>> -> memref<80x128xi32, #tpu.memory_space<hbm>>
      %dma_wait3A_25 = arith.constant 0 : i32
      %dma_wait3A_26 = arith.constant 0 : i32
      %dma_wait3A_27 = tpu.memref_slice %arg2[%add3A, %dma_wait3A_25, %dma_wait3A_26] : memref<32x80x128xi32, #tpu.memory_space<hbm>> -> memref<1x80x128xi32, #tpu.memory_space<hbm>>
      %dma_wait3A_28 = tpu.memref_squeeze %dma_wait3A_27 : memref<1x80x128xi32, #tpu.memory_space<hbm>> -> memref<80x128xi32, #tpu.memory_space<hbm>>
      tpu.wait_dma2 semaphore(%run_scoped3A : memref<!tpu.dma_semaphore, #tpu.memory_space<semaphore_mem>>) src(%dma_wait3A_28 : memref<80x128xi32, #tpu.memory_space<hbm>>) dst(%arg6 : memref<80x128xi32, #tpu.memory_space<vmem>>)
      tpu.yield
    }) : () -> ()
    "tpu.region"() ({
      %run_scoped3A = tpu.sem_alloc : memref<!tpu.dma_semaphore, #tpu.memory_space<semaphore_mem>>
      tpu.enqueue_dma source(%arg3 : memref<128x128xf32, #tpu.memory_space<hbm>>) target(%arg7 : memref<128x128xf32, #tpu.memory_space<vmem>>) target_semaphore(%run_scoped3A : memref<!tpu.dma_semaphore, #tpu.memory_space<semaphore_mem>>)
      tpu.wait_dma2 semaphore(%run_scoped3A : memref<!tpu.dma_semaphore, #tpu.memory_space<semaphore_mem>>) src(%arg3 : memref<128x128xf32, #tpu.memory_space<hbm>>) dst(%arg7 : memref<128x128xf32, #tpu.memory_space<vmem>>)
      tpu.yield
    }) : () -> ()
    %barrier3A = arith.constant 0 : index
    tpu.barrier barrier_id(%barrier3A)
    %scan3A = arith.constant 0 : i32
    %scan3A_5 = arith.constant 0 : i32
    %scan3A_6 = arith.constant 40 : i32
    %scan3A_7 = arith.addi %scan3A_5, %scan3A_6 : i32
    %scan3A_8 = arith.constant 1 : i32
    scf.for %scan3A_15 = %scan3A_5 to %scan3A_7 step %scan3A_8  : i32 {
      %mul3A_16 = arith.constant 2 : i32
      %mul3A_17 = arith.muli %scan3A_15, %mul3A_16 : i32
      %add3A_18 = arith.constant 0 : i32
      %add3A_19 = arith.addi %mul3A_17, %add3A_18 : i32
      %dma_start3A = arith.constant 0 : i32
      %dma_start3A_20 = tpu.memref_slice %arg6[%add3A_19, %dma_start3A] : memref<80x128xi32, #tpu.memory_space<vmem>> -> memref<1x128xi32, #tpu.memory_space<vmem>>
      %dma_start3A_21 = tpu.memref_squeeze %dma_start3A_20 : memref<1x128xi32, #tpu.memory_space<vmem>> -> memref<128xi32, #tpu.memory_space<vmem>>
      %dma_start3A_22 = arith.constant 0 : i32
      %dma_start3A_23 = arith.constant 0 : i32
      %dma_start3A_24 = tpu.memref_slice %arg8[%dma_start3A_22, %dma_start3A_23] : memref<10112x128xf32, #tpu.memory_space<vmem_shared>> -> memref<10112x128xf32, #tpu.memory_space<vmem_shared>>
      tpu.enqueue_indirect_dma source(%arg7 : memref<128x128xf32, #tpu.memory_space<vmem>>) target(%dma_start3A_24 : memref<10112x128xf32, #tpu.memory_space<vmem_shared>>) offsets(%dma_start3A_21 : memref<128xi32, #tpu.memory_space<vmem>>) semaphore(%arg9 : memref<!tpu.dma_semaphore, #tpu.memory_space<semaphore_mem>>) {add = true}
      %mul3A_25 = arith.constant 2 : i32
      %mul3A_26 = arith.muli %scan3A_15, %mul3A_25 : i32
      %add3A_27 = arith.constant 1 : i32
      %add3A_28 = arith.addi %mul3A_26, %add3A_27 : i32
      %dma_start3A_29 = arith.constant 0 : i32
      %dma_start3A_30 = tpu.memref_slice %arg6[%add3A_28, %dma_start3A_29] : memref<80x128xi32, #tpu.memory_space<vmem>> -> memref<1x128xi32, #tpu.memory_space<vmem>>
      %dma_start3A_31 = tpu.memref_squeeze %dma_start3A_30 : memref<1x128xi32, #tpu.memory_space<vmem>> -> memref<128xi32, #tpu.memory_space<vmem>>
      %dma_start3A_32 = arith.constant 0 : i32
      %dma_start3A_33 = arith.constant 0 : i32
      %dma_start3A_34 = tpu.memref_slice %arg8[%dma_start3A_32, %dma_start3A_33] : memref<10112x128xf32, #tpu.memory_space<vmem_shared>> -> memref<10112x128xf32, #tpu.memory_space<vmem_shared>>
      tpu.enqueue_indirect_dma source(%arg7 : memref<128x128xf32, #tpu.memory_space<vmem>>) target(%dma_start3A_34 : memref<10112x128xf32, #tpu.memory_space<vmem_shared>>) offsets(%dma_start3A_31 : memref<128xi32, #tpu.memory_space<vmem>>) semaphore(%arg10 : memref<!tpu.dma_semaphore, #tpu.memory_space<semaphore_mem>>) {add = true}
      %dma_wait3A = arith.constant 0 : i32
      %dma_wait3A_35 = tpu.memref_slice %arg6[%add3A_19, %dma_wait3A] : memref<80x128xi32, #tpu.memory_space<vmem>> -> memref<1x128xi32, #tpu.memory_space<vmem>>
      %dma_wait3A_36 = tpu.memref_squeeze %dma_wait3A_35 : memref<1x128xi32, #tpu.memory_space<vmem>> -> memref<128xi32, #tpu.memory_space<vmem>>
      %dma_wait3A_37 = arith.constant 0 : i32
      %dma_wait3A_38 = arith.constant 0 : i32
      %dma_wait3A_39 = tpu.memref_slice %arg8[%dma_wait3A_37, %dma_wait3A_38] : memref<10112x128xf32, #tpu.memory_space<vmem_shared>> -> memref<10112x128xf32, #tpu.memory_space<vmem_shared>>
      tpu.wait_indirect_dma semaphore(%arg9 : memref<!tpu.dma_semaphore, #tpu.memory_space<semaphore_mem>>) src(%arg7 : memref<128x128xf32, #tpu.memory_space<vmem>>) dst(%dma_wait3A_39 : memref<10112x128xf32, #tpu.memory_space<vmem_shared>>)
      %dma_wait3A_40 = arith.constant 0 : i32
      %dma_wait3A_41 = tpu.memref_slice %arg6[%add3A_28, %dma_wait3A_40] : memref<80x128xi32, #tpu.memory_space<vmem>> -> memref<1x128xi32, #tpu.memory_space<vmem>>
      %dma_wait3A_42 = tpu.memref_squeeze %dma_wait3A_41 : memref<1x128xi32, #tpu.memory_space<vmem>> -> memref<128xi32, #tpu.memory_space<vmem>>
      %dma_wait3A_43 = arith.constant 0 : i32
      %dma_wait3A_44 = arith.constant 0 : i32
      %dma_wait3A_45 = tpu.memref_slice %arg8[%dma_wait3A_43, %dma_wait3A_44] : memref<10112x128xf32, #tpu.memory_space<vmem_shared>> -> memref<10112x128xf32, #tpu.memory_space<vmem_shared>>
      tpu.wait_indirect_dma semaphore(%arg10 : memref<!tpu.dma_semaphore, #tpu.memory_space<semaphore_mem>>) src(%arg7 : memref<128x128xf32, #tpu.memory_space<vmem>>) dst(%dma_wait3A_45 : memref<10112x128xf32, #tpu.memory_space<vmem_shared>>)
    }
    %scan3A_9 = arith.constant 40 : i32
    %barrier3A_10 = arith.constant 0 : index
    tpu.barrier barrier_id(%barrier3A_10)
    %mul3A_11 = arith.constant 632 : i32
    %mul3A_12 = arith.muli %arg1, %mul3A_11 : i32
    %mul3A_13 = arith.constant 632 : i32
    %mul3A_14 = arith.muli %arg1, %mul3A_13 : i32
    "tpu.region"() ({
      %run_scoped3A = tpu.sem_alloc : memref<!tpu.dma_semaphore, #tpu.memory_space<semaphore_mem>>
      %dma_start3A = arith.constant 0 : i32
      %dma_start3A_15 = tpu.memref_slice %arg5[%arg0, %mul3A_14, %dma_start3A] : memref<2x10112x128xf32, #tpu.memory_space<hbm>> -> memref<1x632x128xf32, #tpu.memory_space<hbm>>
      %dma_start3A_16 = tpu.memref_squeeze %dma_start3A_15 : memref<1x632x128xf32, #tpu.memory_space<hbm>> -> memref<632x128xf32, #tpu.memory_space<hbm>>
      %dma_start3A_17 = arith.constant 0 : i32
      %dma_start3A_18 = tpu.memref_slice %arg8[%mul3A_12, %dma_start3A_17] : memref<10112x128xf32, #tpu.memory_space<vmem_shared>> -> memref<632x128xf32, #tpu.memory_space<vmem_shared>>
      tpu.enqueue_dma source(%dma_start3A_18 : memref<632x128xf32, #tpu.memory_space<vmem_shared>>) target(%dma_start3A_16 : memref<632x128xf32, #tpu.memory_space<hbm>>) target_semaphore(%run_scoped3A : memref<!tpu.dma_semaphore, #tpu.memory_space<semaphore_mem>>)
      %dma_wait3A = arith.constant 0 : i32
      %dma_wait3A_19 = tpu.memref_slice %arg5[%arg0, %mul3A_14, %dma_wait3A] : memref<2x10112x128xf32, #tpu.memory_space<hbm>> -> memref<1x632x128xf32, #tpu.memory_space<hbm>>
      %dma_wait3A_20 = tpu.memref_squeeze %dma_wait3A_19 : memref<1x632x128xf32, #tpu.memory_space<hbm>> -> memref<632x128xf32, #tpu.memory_space<hbm>>
      %dma_wait3A_21 = arith.constant 0 : i32
      %dma_wait3A_22 = tpu.memref_slice %arg8[%mul3A_12, %dma_wait3A_21] : memref<10112x128xf32, #tpu.memory_space<vmem_shared>> -> memref<632x128xf32, #tpu.memory_space<vmem_shared>>
      tpu.wait_dma2 semaphore(%run_scoped3A : memref<!tpu.dma_semaphore, #tpu.memory_space<semaphore_mem>>) src(%dma_wait3A_22 : memref<632x128xf32, #tpu.memory_space<vmem_shared>>) dst(%dma_wait3A_20 : memref<632x128xf32, #tpu.memory_space<hbm>>)
      tpu.yield
    }) : () -> ()
    return
  }
}

</mosaic_0001>

<sc_bundles>
// kernel: _sc_deg.3.cloned.1.call-start
scs
__scs_entry_jumppad:
0x0: {  	(pc) =	sbr.rel $0x88, $3  }
0x1: {  	(tag) =	ssettag $0x0;
	lr =	simm.s32 $0x1  }
0x2: {  	[smem:$0x3F9E] =	sst lr;
	_ =	strace $0xD0000000  }
0x3: {  	_ = 	snop  }
0x4: {  	_ = 	snop  }
0x5: {  	_ = 	snop  }
0x6: {  	_ = 	snop  }
0x7: {  	_ = 	snop  }
__scs_overlays_trampoline_lowered:
0x8: {  	[smem:$0x3FAD] =	sst s0  }
0x9: {  	[smem:$0x3FAE] =	sst s1  }
0xa: {  	[smem:$0x3FAF] =	sst s2  }
0xb: {  	[smem:$0x3FB0] =	sst s3  }
0xc: {  	[smem:$0x3FB1] =	sst s4  }
0xd: {  	[smem:$0x3FB2] =	sst s5  }
0xe: {  	[smem:$0x3FB3] =	sst s6  }
0xf: {  	[smem:$0x3FB4] =	sst s7  }
0x10: {  	[smem:$0x3FB5] =	sst s8  }
0x11: {  	[smem:$0x3FB6] =	sst s9;
	s0 =	simm.s32 @!p0 $0x0  }
0x12: {  	s1 =	sld [smem:$0x3F9C];
	s0 =	simm.s32 @p0 $0x1  }
0x13: {  	[smem:$0x3FB7] =	sst s0;
	s0 =	simm.s32 @!p1 $0x0  }
0x14: {  	s2 =	sld [smem:$0x3F9B];
	s0 =	simm.s32 @p1 $0x1  }
0x15: {  	[smem:$0x3FB8] =	sst s0;
	s0 =	simm.s32 @!p2 $0x0  }
0x16: {  	s3 =	sld [smem:$0x3FDB];
	s0 =	simm.s32 @p2 $0x1  }
0x17: {  	s4 =	simm.s32 $0x1BF5;
	[smem:$0x3FBA] =	sst s0  }
0x18: {  	s0 =	sld [smem:$0x3F9D];
	_ =	swait.ge [sflag:s4], $0x0  }
0x19: {  	s7 =	sld [smem:$0x3F9E]  }
0x1a: {  	s8 =	sadd.s32 $0xFFFFE003, lr  }
0x1b: {  	s9 =	sadd.s32 $0xFFFFFEF7, lr;
	s5 =	simm.s32 $0xFFFFFFFF;
	p2 =	slt.u32 s8, $0xFFFFF086  }
0x1c: {  	p1 =	slt.u32 s9, $0xF7A;
	s5 =	simm.s32 @!p2 $0x0  }
0x1d: {  	s5 =	simm.s32 @p1 $0x1;
	p0 =	seq.s32 s7, s2  }
0x1e: {  	s7 =	smul.u32 @!p0 $0xF7A, s2;
	p2 =	seq.s32 @!p0 s5, $0x0  }
0x1f: {  	s9 =	smul.u32 $0xF7A, s1;
	s8 =	simm.s32 @!p0 $0x1BF5;
	p2 =	por !p2, p0  }
0x20: {  	[sflag:s8] =	ssyncset.s32 @!p0 $0xFFFFF086;
	s6 =	sadd.s32 @!p0 s3, s7;
	s7 =	simm.s32 @!p0 $0x108  }
0x21: {  	s3 =	sadd.s32 s3, s9;
	s6 =	sadd.s32 @!p0 $0x88, s6;
	s7 =	simm.s32 @p2 $0x1082  }
0x22: {  	[simem:s7], [sflag:s8] =	dma.local @!p0 [hbm:s6], $0xF7A  }
0x23: {  	s9 =	sor.u32 $0xD0000000, s2;
	s6 =	simm.s32 $0x108;
	_ =	swait.ge @!p0 [sflag:s8], $0x0  }
0x24: {  	s3 =	sadd.s32 $0x88, s3;
	s6 =	simm.s32 @!p1 $0x1082;
	[sflag:s4] =	ssyncset.s32 $0xFFFFF086  }
0x25: {  	[simem:s6], [sflag:s4] =	dma.local [hbm:s3], $0xF7A  }
0x26: {  	[smem:$0x3F9E] =	sst s1;
	(tag) =	ssettag s2;
	_ =	strace s9  }
0x27: {  	s1 =	sld [smem:$0x3FAE]  }
0x28: {  	s2 =	sld [smem:$0x3FAF]  }
0x29: {  	s4 =	sld [smem:$0x3FB1]  }
0x2a: {  	p0 =	seq.s32 s5, $0x0;
	s5 =	sld [smem:$0x3FB2]  }
0x2b: {  	s6 =	sld [smem:$0x3FB3]  }
0x2c: {  	s7 =	sld [smem:$0x3FB4]  }
0x2d: {  	s3 =	simm.s32 $0x108;
	s8 =	sld [smem:$0x3FB5]  }
0x2e: {  	s3 =	simm.s32 @!p0 $0x1082;
	s9 =	sld [smem:$0x3FB6]  }
0x2f: {  	lr =	sadd.s32 s0, s3;
	s0 =	sld [smem:$0x3FAD]  }
0x30: {  	s3 =	sld [smem:$0x3FB0]  }
0x31: {  	[smem:$0x3FB9] =	sst s10  }
0x32: {  	s10 =	sld [smem:$0x3FB7];
	_ =	sdelay $0x3  }
0x33: {  	p0 =	seq.s32 s10, $0x1;
	s10 =	sld [smem:$0x3FB9];
	_ =	sdelay $0x3  }
0x34: {  	[smem:$0x3FB9] =	sst s10  }
0x35: {  	s10 =	sld [smem:$0x3FB8];
	_ =	sdelay $0x3  }
0x36: {  	p1 =	seq.s32 s10, $0x1;
	s10 =	sld [smem:$0x3FB9];
	_ =	sdelay $0x3  }
0x37: {  	[smem:$0x3FB9] =	sst s10  }
0x38: {  	s10 =	sld [smem:$0x3FBA]  }
0x39: {  	_ = 	snop;
	(pc) =	sbr.ind lr, $3  }
0x3a: {  	_ = 	snop  }
0x3b: {  	_ = 	snop  }
0x3c: {  	p2 =	seq.s32 s10, $0x1;
	s10 =	sld [smem:$0x3FB9]  }
0x3d: {  	_ =	shalt  }
0x3e: {  	_ =	shalt  }
0x3f: {  	_ =	shalt  }
0x40: {  	_ =	shalt  }
0x41: {  	_ =	shalt  }
0x42: {  	_ =	shalt  }
0x43: {  	_ =	shalt  }
0x44: {  	_ =	shalt  }
0x45: {  	_ =	shalt  }
0x46: {  	_ =	shalt  }
0x47: {  	_ =	shalt  }
0x48: {  	_ =	shalt  }
0x49: {  	_ =	shalt  }
0x4a: {  	_ =	shalt  }
0x4b: {  	_ =	shalt  }
0x4c: {  	_ =	shalt  }
0x4d: {  	_ =	shalt  }
0x4e: {  	_ =	shalt  }
0x4f: {  	_ =	shalt  }
0x50: {  	_ =	shalt  }
0x51: {  	_ =	shalt  }
0x52: {  	_ =	shalt  }
0x53: {  	_ =	shalt  }
0x54: {  	_ =	shalt  }
0x55: {  	_ =	shalt  }
0x56: {  	_ =	shalt  }
0x57: {  	_ =	shalt  }
0x58: {  	_ =	shalt  }
0x59: {  	_ =	shalt  }
0x5a: {  	_ =	shalt  }
0x5b: {  	_ =	shalt  }
0x5c: {  	_ =	shalt  }
0x5d: {  	_ =	shalt  }
0x5e: {  	_ =	shalt  }
0x5f: {  	_ =	shalt  }
0x60: {  	_ =	shalt  }
0x61: {  	_ =	shalt  }
0x62: {  	_ =	shalt  }
0x63: {  	_ =	shalt  }
0x64: {  	_ =	shalt  }
0x65: {  	_ =	shalt  }
0x66: {  	_ =	shalt  }
0x67: {  	_ =	shalt  }
0x68: {  	_ =	shalt  }
0x69: {  	_ =	shalt  }
0x6a: {  	_ =	shalt  }
0x6b: {  	_ =	shalt  }
0x6c: {  	_ =	shalt  }
0x6d: {  	_ =	shalt  }
0x6e: {  	_ =	shalt  }
0x6f: {  	_ =	shalt  }
0x70: {  	_ =	shalt  }
0x71: {  	_ =	shalt  }
0x72: {  	_ =	shalt  }
0x73: {  	_ =	shalt  }
0x74: {  	_ =	shalt  }
0x75: {  	_ =	shalt  }
0x76: {  	_ =	shalt  }
0x77: {  	_ =	shalt  }
0x78: {  	_ =	shalt  }
0x79: {  	_ =	shalt  }
0x7a: {  	_ =	shalt  }
0x7b: {  	_ =	shalt  }
0x7c: {  	_ =	shalt  }
0x7d: {  	_ =	shalt  }
0x7e: {  	_ =	shalt  }
0x7f: {  	_ =	shalt  }
0x80: {  	_ =	shalt  }
0x81: {  	_ =	shalt  }
0x82: {  	_ =	shalt  }
0x83: {  	_ =	shalt  }
0x84: {  	_ =	shalt  }
0x85: {  	_ =	shalt  }
0x86: {  	_ =	shalt  }
0x87: {  	_ =	shalt  }
.Lfunc_end0:
.L_simem_size_0:
called_computation_lowered:
.L_overlay_start_0:
0x88: {  	s2 =	sld [smem:$0x3FD9]  }
0x89: {  	s3 =	sld [smem:$0x3FFE];
	_ =	sdelay $0x1  }
0x8a: {  	s1 =	srdreg.scid  }
0x8b: {  	s0 =	sand.u32 $0x1, s1  }
0x8c: {  	s18 =	sshll.u32 s0, $0xA;
	s2 =	sadd.s32 s3, s2  }
0x8d: {  	s2 =	sadd.s32 s2, s18  }
0x8e: {  	[smem:$0x3FC5] =	sst s2  }
0x8f: {  	_ = 	snop  }
0x90: {  	s2 =	sld [smem:$0x3FC9]  }
0x91: {  	s19 =	sld [smem:$0x3FC8]  }
0x92: {  	s4 =	sld [smem:$0x3FC7]  }
0x93: {  	s5 =	sld [smem:$0x3FD0];
	(tm) =	ssettm $0x1  }
0x94: {  	s6 =	sld [smem:$0x3FFB];
	_ =	sdelay $0x3  }
0x95: {  	_ =	strace s6  }
0x96: {  	s6 =	sld [smem:$0x3FFC];
	_ =	sdelay $0x3  }
0x97: {  	_ =	strace s6  }
0x98: {  	s6 =	sld [smem:$0x3FFD];
	_ =	sdelay $0x3  }
0x99: {  	_ =	strace s6  }
0x9a: {  	_ =	strace $0x8FFFFFFF  }
0x9b: {  	s20 =	sld [smem:$0x3FDB];
	_ =	sdelay $0x1  }
0x9c: {  	s7 =	simm.s32 $_scs_section_size  }
0x9d: {  	s8 =	simm.s32 $_size__tile_overlayer_lowered;
	s9 =	simm.s32 $_tile_overlayer_lowered  }
0x9e: {  	s23 =	simm.s32 $0x1BFF;
	s22 =	sshll.u32 s9, $0x1;
	s6 =	sadd.s32 s7, s20  }
0x9f: {  	s10 =	simm.s32 $0x0;
	s21 =	sshll.u32 s8, $0x1;
	s8 =	sadd.s32 s22, s6  }
0xa0: {  	[timem:s10], [sflag:s23] =	dma.local [hbm:s8], s21  }
0xa1: {  	_ =	swait.ge [sflag:s23], s21  }
0xa2: {  	s7 =	ssub.s32 $0x0, s21;
	[sflag:s23] =	ssyncset.done $0x0  }
0xa3: {  	[sflag:s23] =	ssyncadd.s32 s7;
	_ =	sdelay $0x1  }
0xa4: {  	s24 =	simm.s32 $0x1B8B  }
0xa5: {  	_ =	swait.ge [sflag:s24], $0x1  }
0xa6: {  	[sflag:s24] =	ssyncset.done $0x0  }
0xa7: {  	s25 =	simm.s32 $0x1B8E;
	[sflag:s24] =	ssyncadd.s32 $0xFFFFFFFF  }
0xa8: {  	s26 =	simm.s32 $execute0_lowered;
	[smem:$0x3FD2] =	sst s25  }
0xa9: {  	s7 =	sshll.u32 s26, $0x1;
	_ =	strace $0x80000046;
	[dreg:$0x1] =	wrdreg $0xFFFFFFFF  }
0xaa: {  	s28 =	simm.s32 $_size_execute0_lowered;
	s6 =	sadd.s32 s6, s7;
	[dreg:$0x0] =	wrdreg $0x0  }
0xab: {  	s7 =	sshll.u32 s28, $0x1;
	[dreg:$0x2] =	wrdreg s6  }
0xac: {  	[dreg:$0x3] =	wrdreg s7  }
0xad: {  	[dreg:$0x4] =	wrdreg $0xC0  }
0xae: {  	_ =	task [dreg:s10], $0x5FFFF  }
0xaf: {  	[dreg:$0x1] =	wrdreg $0xFFFFFFFF  }
0xb0: {  	[dreg:$0x0] =	wrdreg $0x60  }
0xb1: {  	[dreg:$0x2] =	wrdreg s2  }
0xb2: {  	[dreg:$0x3] =	wrdreg s19  }
0xb3: {  	[dreg:$0x4] =	wrdreg s4  }
0xb4: {  	[dreg:$0x5] =	wrdreg s5  }
0xb5: {  	[dreg:$0x6] =	wrdreg $0x68000  }
0xb6: {  	[dreg:$0x7] =	wrdreg $0x9  }
0xb7: {  	_ =	task.clear_ibuf [dreg:s10], $0x8FFFF;
	_ =	strace $0x90000046  }
0xb8: {  	s29 =	simm.s32 $0x9;
	_ =	strace $0x80000048  }
0xb9: {  	_ =	swait.ge [sflag:s29], $0x1  }
0xba: {  	[sflag:s29] =	ssyncadd.s32 $0xFFFFFFFF  }
0xbb: {  	_ =	strace $0x90000048  }
0xbc: {  	_ =	sfence  }
0xbd: {  	s30 =	sld [smem:$0x0];
	_ =	sdelay $0x2  }
0xbe: {  	s31 =	sshll.u32 s1, $0xD;
	s1 =	sshrl.u32 s1, $0x2  }
0xbf: {  	s3 =	sand.u32 $0x4000, s31;
	s1 =	sadd.s32 s1, s30  }
0xc0: {  	s0 =	sor.u32 s3, s0;
	s1 =	sshll.u32 s1, $0x11  }
0xc1: {  	s0 =	sor.u32 s1, s0  }
0xc2: {  	s0 =	sadd.s32 $0x8F2B, s0  }
0xc3: {  	[sflag:s0] =	ssyncadd.remote.s32 $0x1  }
0xc4: {  	_ =	sfence.sel $0xFFFF  }
0xc5: {  	[dreg:$0x0] =	wrdreg $0xFFFFFFFF;
	(pc) =	sbr.abs _section_cstart, $3  }
0xc6: {  	[dreg:$0x1] =	wrdreg $0xFFFFFFFF  }
0xc7: {  	_ =	task.clear_ibuf [dreg:s10], $0x2FFFF;
	_ =	strace $0x9FFFFFFF  }
0xc8: {  	(tm) =	ssettm $0x7FFFFFFF  }
0xc9: {  	_ =	shalt  }
tec
execute0_lowered:
.L_overlay_start_1:
0x0: {  	(tag) =	ssettag $0x1  }
0x1: {  	s7 =	rddreg [dreg:$0x0]  }
0x2: {  	s1 =	rddreg [dreg:$0x1]  }
0x3: {  	s5 =	rddreg [dreg:$0x2]  }
0x4: {  	s8 =	rddreg [dreg:$0x3]  }
0x5: {  	s2 =	rddreg [dreg:$0x4];
	s3 =	srdreg.scid  }
0x6: {  	s0 =	rddreg [dreg:$0x5];
	s4 =	simm.s32 $0x0;
	s14 =	simm.s32 $0x1  }
0x7: {  	s15 =	simm.s32 $0x2;
	s6 =	sand.u32 $0x1, s3;
	s3 =	stileid.u32  }
0x8: {  	s16 =	simm.s32 $0x0;
	[smem:$0x7FF] =	sst s4;
	s11 =	smul.u32 $0x4F000, s3  }
0x9: {  	s9 =	ssub.s32 $0x2, s6;
	_ =	strace $0x80000047;
	s30 =	smul.u32 $0x13C00, s3  }
0xa: {  	s12 =	sshll.u32 s6, $0x4;
	s6 =	smul.u32 $0x13C000, s6;
	s10 =	sshrl.u32 s9, $0x1  }
0xb: {  	s31 =	sshll.u32 s3, $0x6;
	s12 =	sor.u32 s3, s12;
	s9 =	ssub.s32 s9, s10  }
0xc: {  	s11 =	sshrl.u32 s11, $0x2;
	s13 =	sshrl.u32 s30, $0x3;
	s12 =	smul.u32 $0x500, s12  }
0xd: {  	s10 =	sadd.s32 s30, s6;
	s6 =	sor.u32 $0x1C03, s31;
	s11 =	sadd.s32 s11, s2  }
0xe: {  	s5 =	sadd.s32 s5, s13;
	s10 =	sshrl.u32 s10, $0x3;
	s9 =	smax.u32 s9, $0x1  }
0xf: {  	s13 =	simm.s32 $0x80;
	s7 =	sadd.s32 s7, s12;
	s8 =	sadd.s32 s8, s10  }
0x10: {  	s10 =	sshrl.u32 s11, $0x3;
	s11 =	simm.s32 $0x3;
	s12 =	simm.s32 $0x2800  }
.LBB2_1:
0x11: {  	[spmem:s10], [sflag:s6] =	dma.local [hbm:s5], $0x2780  }
0x12: {  	_ =	swait.ge [sflag:s11], $0x2780  }
0x13: {  	[sflag:s11] =	ssyncset.done $0x0  }
0x14: {  	[sflag:s11] =	ssyncadd.s32 $0xFFFFD880  }
0x15: {  	[tilespmem:s4], [sflag:$0x3] =	stream.linear.gather [hbm4b:s7+s4], $0x2800, $0x38;
	[tilespmem:$0x1A400] =	vst v63  }
0x16: {  	_ =	swait.ge [sflag:s11], $0x2800  }
0x17: {  	[sflag:s11] =	ssyncset.done $0x0  }
0x18: {  	[sflag:s11] =	ssyncadd.s32 $0xFFFFD800  }
0x19: {  	[tilespmem:s12], [sflag:$0x3] =	stream.linear.gather [hbm4b:s1+s4], $0x4000, $0x38;
	[tilespmem:$0x1A400] =	vst v63  }
0x1a: {  	_ =	swait.ge [sflag:s11], $0x4000  }
0x1b: {  	[sflag:s11] =	ssyncset.done $0x0  }
0x1c: {  	[sflag:s11] =	ssyncadd.s32 $0xFFFFC000  }
0x1d: {  	s17 =	simm.s32 $0x0;
	[bflag:$0x0] =	sbarrier.arrive $0xFFFF  }
0x1e: {  	[spmem:s2] =	stream.indirect.scatter.add.f32 [tilespmem:s12], [sflag:$0x1], $0x80, s17, s13, $0xb8;
	[tilespmem:$0x1A400] =	vst v63  }
0x1f: {  	s31 =	simm.s32 $0x80  }
0x20: {  	[spmem:s2] =	stream.indirect.scatter.add.f32 [tilespmem:s12], [sflag:$0x2], $0x80, s31, s13, $0xb8;
	[tilespmem:$0x1A400] =	vst v63  }
0x21: {  	_ =	swait.ge [sflag:s14], $0x4000  }
0x22: {  	[sflag:s14] =	ssyncset.done $0x0  }
0x23: {  	[sflag:s14] =	ssyncadd.s32 $0xFFFFC000  }
0x24: {  	_ =	swait.ge [sflag:s15], $0x4000  }
0x25: {  	s18 =	simm.s32 $0x800;
	s17 =	simm.s32 $0x400;
	[sflag:s15] =	ssyncset.done $0x0  }
.LBB2_2:
0x26: {  	s19 =	sshra.s32 s17, $0x2  }
0x27: {  	[sflag:s15] =	ssyncadd.s32 $0xFFFFC000;
	s17 =	smov.u32 s18;
	s20 =	sadd.s32 $0x400, s18  }
0x28: {  	[spmem:s2] =	stream.indirect.scatter.add.f32 [tilespmem:s12], [sflag:$0x1], $0x80, s19, s13, $0xb8;
	[tilespmem:$0x1A400] =	vst v63  }
0x29: {  	p0 =	sne.s32 s18, $0x9C00;
	s18 =	sadd.s32 $0x80, s19  }
0x2a: {  	[spmem:s2] =	stream.indirect.scatter.add.f32 [tilespmem:s12], [sflag:$0x2], $0x80, s18, s13, $0xb8;
	[tilespmem:$0x1A400] =	vst v63  }
.Ltmp0:
0x2b: {  	_ =	swait.ge [sflag:s14], $0x4000;
	(pc) =	sbr.rel @p0 .LBB2_2-.Ltmp0, $4  }
0x2c: {  	[sflag:s14] =	ssyncset.done $0x0  }
0x2d: {  	[sflag:s14] =	ssyncadd.s32 $0xFFFFC000  }
0x2e: {  	_ =	swait.ge [sflag:s15], $0x4000  }
0x2f: {  	s18 =	smov.u32 s20;
	[sflag:s15] =	ssyncset.done $0x0  }
0x30: {  	s17 =	sshra.s32 s17, $0x2;
	[sflag:s15] =	ssyncadd.s32 $0xFFFFC000  }
0x31: {  	[spmem:s2] =	stream.indirect.scatter.add.f32 [tilespmem:s12], [sflag:$0x1], $0x80, s17, s13, $0xb8;
	[tilespmem:$0x1A400] =	vst v63  }
0x32: {  	s17 =	sadd.s32 $0x80, s17  }
0x33: {  	[spmem:s2] =	stream.indirect.scatter.add.f32 [tilespmem:s12], [sflag:$0x2], $0x80, s17, s13, $0xb8;
	[tilespmem:$0x1A400] =	vst v63  }
0x34: {  	_ =	swait.ge [sflag:s14], $0x4000  }
0x35: {  	[sflag:s14] =	ssyncset.done $0x0  }
0x36: {  	[sflag:s14] =	ssyncadd.s32 $0xFFFFC000  }
0x37: {  	_ =	swait.ge [sflag:s15], $0x4000  }
0x38: {  	s16 =	sadd.s32 $0x1, s16;
	[sflag:s15] =	ssyncset.done $0x0  }
0x39: {  	p0 =	sne.s32 s16, s9;
	[sflag:s15] =	ssyncadd.s32 $0xFFFFC000  }
.Ltmp1:
0x3a: {  	[bflag:$0x0] =	sbarrier.arrive $0xFFFF;
	(pc) =	sbr.rel @p0 .LBB2_1-.Ltmp1, $4  }
0x3b: {  	[hbm:s8], [sflag:s6] =	dma.local [spmem:s10], $0x2780  }
0x3c: {  	_ =	swait.ge [sflag:s11], $0x2780  }
0x3d: {  	[sflag:s11] =	ssyncset.done $0x0  }
0x3e: {  	[sflag:s11] =	ssyncadd.s32 $0xFFFFD880  }
0x3f: {  	_ =	sfence.sel $0x180000  }
0x40: {  	[bflag:$0x0] =	sbarrier.arrive $0xFFFF  }
0x41: {  	p0 =	sne.s32 s3, $0x0;
	_ =	strace $0x90000047  }
0x42: {  	s0 =	sadd.s32 @!p0 $0x100000, s0;
	[bflag:$0x2] =	sbarrier.arrive $0xFFFF  }
0x43: {  	[sflag:s0] =	ssyncadd.tile.s32 @!p0 $0x1;
	_ =	shalt  }
.Lfunc_end2:
_tile_overlayer_lowered:
.L_overlay_start_2:
0x44: {  	(tag) =	ssettag $0x2  }
0x45: {  	s0 =	rddreg [dreg:$0x0];
	s2 =	stileid.u32  }
0x46: {  	s1 =	rddreg [dreg:$0x1];
	p0 =	sne.s32 s2, $0x0  }
0x47: {  	s3 =	rddreg [dreg:$0x2];
	[bflag:$0x3] =	sbarrier.arrive $0xFFFF;
	s2 =	simm.s32 @!p0 $0x1C03  }
0x48: {  	[timem:s3], [sflag:s2] =	dma.local @!p0 [hbm:s0], s1  }
0x49: {  	s0 =	simm.s32 @!p0 $0x3  }
0x4a: {  	_ =	swait.ge @!p0 [sflag:s0], s1  }
0x4b: {  	s1 =	ssub.s32 @!p0 $0x0, s1;
	[sflag:s0] =	ssyncset.done @!p0 $0x0  }
0x4c: {  	[sflag:s0] =	ssyncadd.s32 @!p0 s1  }
0x4d: {  	[bflag:$0x3] =	sbarrier.arrive $0xFFFF  }
0x4e: {  	_ =	shalt  }

</sc_bundles>
